<compile_context>
chip_gen: v7x
topology: tpu7x:2x2x1
jax: 0.10.2.dev20260603
libtpu: 0.0.44.dev20260713+nightly
codegen_flags: <defaults>
</compile_context>

<pallas_src>
import functools

import jax
import jax.numpy as jnp
from jax import lax
from jax.experimental import pallas as pl
from jax.experimental.pallas import tpu as pltpu
from jax.experimental.pallas import tpu_sc as plsc

NB = 8192
CD = 32
NT = 8192
TB = 8192
NC = 2048
GRID = NT // TB
NCHUNK = NB // NC


_SC_MESH = plsc.VectorSubcoreMesh(core_axis_name="c", subcore_axis_name="s")
_NW = 32
_BPW = NT // _NW


@functools.partial(
    pl.kernel, mesh=_SC_MESH,
    out_type=jax.ShapeDtypeStruct((NT, 128), jnp.float32),
    scratch_types=[
        pltpu.VMEM((_BPW,), jnp.int32),
        pltpu.VMEM((_BPW, 128), jnp.float32),
        pltpu.SemaphoreType.DMA,
    ],
)
def _sc_gather(cb_hbm, idx_hbm, out_hbm, idx_v, rows_v, sem):
    wid = lax.axis_index("s") * 2 + lax.axis_index("c")
    base = wid * _BPW
    pltpu.sync_copy(idx_hbm.at[pl.ds(base, _BPW)], idx_v)
    pltpu.async_copy(cb_hbm.at[idx_v], rows_v, sem).wait()
    pltpu.sync_copy(rows_v, out_hbm.at[pl.ds(base, _BPW)])


def _main_body(x_ref, zq_ref, idx_ref, zqb_ref, counts_ref, commit_ref,
               ppl_ref, usage_ref, top10_ref, cmin_ref, cmed_ref, cq95_ref):
    i = pl.program_id(0)
    x = x_ref[...]
    zq = zq_ref[:, 0:CD]
    idx = idx_ref[...]

    @pl.when(i == 0)
    def _init():
        counts_ref[...] = jnp.zeros_like(counts_ref)
        commit_ref[...] = jnp.zeros_like(commit_ref)

    hi = idx >> 7
    lo = idx & 127
    jhi = jax.lax.broadcasted_iota(jnp.int32, (TB, NB // 128), 1)
    jlo = jax.lax.broadcasted_iota(jnp.int32, (TB, 128), 1)
    oh_hi = (jhi == hi).astype(jnp.float32)
    oh_lo = (jlo == lo).astype(jnp.float32)
    counts_ref[...] += jax.lax.dot_general(
        oh_hi, oh_lo, (((0,), (0,)), ((), ())),
        precision=jax.lax.Precision.DEFAULT,
        preferred_element_type=jnp.float32)

    zqb_ref[...] = x + (zq - x)
    se = (x - zq) ** 2
    per_tok = jnp.sum(se, axis=1, keepdims=True) * (1.0 / CD)
    commit_ref[...] += jnp.sum(per_tok, axis=(0, 1), keepdims=True)

    @pl.when(i == GRID - 1)
    def _metrics():
        _metrics_calc(counts_ref, ppl_ref, usage_ref, top10_ref,
                      cmin_ref, cmed_ref, cq95_ref)


def _metrics_calc(counts_ref, ppl_ref, usage_ref, top10_ref,
                  cmin_ref, cmed_ref, cq95_ref):
    c = counts_ref[...]
    total = jnp.clip(jnp.sum(c), 1e-6, None)
    prob = c / total
    ppl_ref[...] = jnp.exp(
        -jnp.sum(prob * jnp.log(prob + 1e-7))).reshape(1, 1)
    usage_ref[...] = (jnp.sum((c >= 1.0).astype(jnp.float32))
                      * (1.0 / NB)).reshape(1, 1)
    cmin_ref[...] = jnp.min(c).reshape(1, 1)

    def kth(k):
        def body(_, lohi):
            lo, hi = lohi
            mid = (lo + hi) // 2
            cdf = jnp.sum((c <= mid.astype(jnp.float32)).astype(jnp.float32))
            ge = cdf >= jnp.float32(k + 1)
            return (jnp.where(ge, lo, mid + 1), jnp.where(ge, mid, hi))
        lo, hi = jax.lax.fori_loop(
            0, 14, body, (jnp.int32(0), jnp.int32(NB)))
        return hi.astype(jnp.float32)

    s4095 = kth(4095)
    s4096 = kth(4096)
    s7781 = kth(7781)
    s7782 = kth(7782)
    s8182 = kth(8182)

    cmed_ref[...] = ((s4095 + s4096) * 0.5).reshape(1, 1)
    pos = jnp.float32(0.95) * jnp.float32(NB - 1)
    frac = pos - jnp.float32(7781)
    cq95_ref[...] = (s7781 * (1.0 - frac) + s7782 * frac).reshape(1, 1)

    nbig = jnp.sum((c > s8182).astype(jnp.float32))
    sum_top = jnp.sum(c * (c > s8182).astype(jnp.float32))
    sum_top = sum_top + (10.0 - nbig) * s8182
    top10_ref[...] = (sum_top / total).reshape(1, 1)


@functools.partial(jax.jit, static_argnames=())
def kernel(z, codebook):
    B, T, C = z.shape
    x = z.reshape(-1, C)

    k32 = codebook.astype(jnp.float32).T
    x32 = x.astype(jnp.float32)
    d = ((x32 ** 2).sum(axis=-1, keepdims=True)
         - 2.0 * (x32 @ k32) + (k32 ** 2).sum(axis=0, keepdims=True))
    code_idx = jnp.argmin(d, axis=-1)

    idx_i32 = code_idx.astype(jnp.int32)
    cb_pad = jnp.pad(codebook, ((0, 0), (0, 128 - CD)))
    zq = _sc_gather(cb_pad, idx_i32)

    (zqb, counts, commit_sum, ppl, usage, top10,
     cmin, cmed, cq95) = pl.pallas_call(
        _main_body,
        grid=(GRID,),
        in_specs=[
            pl.BlockSpec((TB, CD), lambda i: (i, 0)),
            pl.BlockSpec((TB, 128), lambda i: (i, 0)),
            pl.BlockSpec((TB, 1), lambda i: (i, 0)),
        ],
        out_specs=[
            pl.BlockSpec((TB, CD), lambda i: (i, 0)),
            pl.BlockSpec((NB // 128, 128), lambda i: (0, 0)),
            pl.BlockSpec((1, 1), lambda i: (0, 0)),
        ] + [pl.BlockSpec((1, 1), lambda i: (0, 0))] * 6,
        out_shape=[
            jax.ShapeDtypeStruct((NT, CD), jnp.float32),
            jax.ShapeDtypeStruct((NB // 128, 128), jnp.float32),
            jax.ShapeDtypeStruct((1, 1), jnp.float32),
        ] + [jax.ShapeDtypeStruct((1, 1), jnp.float32)] * 6,
        compiler_params=pltpu.CompilerParams(
            dimension_semantics=("arbitrary",)),
    )(x, zq, idx_i32.reshape(NT, 1))

    commit_loss = (commit_sum[0, 0] * (1.0 / NT)).reshape(())
    z_q_bar = zqb.reshape(B, T, C)
    return (z_q_bar, commit_loss, ppl[0, 0], usage[0, 0], top10[0, 0],
            cmin[0, 0], cmed[0, 0], cq95[0, 0])

# --- scband reference (transcript-rebuilt; emitter-appended) ---
"""Pipeline reference for scband-quantize-emareset-60876866454144 (READ-ONLY COPY).

The authoritative reference and input builder live on the scoring server;
editing this copy changes nothing except your own understanding.
"""

import jax, jax.numpy as jnp
import numpy as np

NB_CODE = 8192
CODE_DIM = 32

def setup_inputs(seed: int = 0) -> dict:
    key = jax.random.key(seed)
    k1, k2 = jax.random.split(key)
    z = jax.random.normal(k1, (4, 2048, CODE_DIM), dtype=jnp.float32)
    codebook = jax.random.normal(k2, (NB_CODE, CODE_DIM), dtype=jnp.float32) * 0.01
    return {"z": z, "codebook": codebook}

def reference(z, codebook):
    # eval-mode forward of QuantizeEMAReset (mask=None)
    B, T, C = z.shape
    x = z.reshape(-1, C)
    # quantize: squared L2 distance to each code, argmin
    k32 = codebook.astype(jnp.float32).T
    x32 = x.astype(jnp.float32)
    d = (x32 ** 2).sum(axis=-1, keepdims=True) - 2.0 * (x32 @ k32) + (k32 ** 2).sum(axis=0, keepdims=True)
    code_idx = jnp.argmin(d, axis=-1)
    # dequantize: embedding gather
    z_q = jnp.take(codebook, code_idx, axis=0)
    # commitment loss (z_q detached)
    se = (x - jax.lax.stop_gradient(z_q)) ** 2
    per_tok = se.mean(axis=-1)
    commit_loss = per_tok.mean()
    # compute_perplexity metrics (eval path)
    K = codebook.shape[0]
    code_count = jnp.bincount(code_idx, length=K).astype(jnp.float32)
    total = jnp.clip(code_count.sum(), 1e-6, None)
    prob = code_count / total
    ppl = jnp.exp(-(prob * jnp.log(prob + 1e-7)).sum())
    usage = (code_count >= 1.0).astype(jnp.float32).mean()
    top10 = jax.lax.top_k(prob, 10)[0].sum()
    count_min = code_count.min()
    count_median = jnp.median(code_count)
    count_q95 = jnp.quantile(code_count, 0.95)
    # straight-through estimator output
    z_q_bar = x + jax.lax.stop_gradient(z_q - x)
    z_q_bar = z_q_bar.reshape(B, T, C)
    return (z_q_bar, commit_loss, ppl, usage, top10, count_min, count_median, count_q95)

if __name__ == "__main__":
    import jax
    _d = setup_inputs()
    print(jax.jit(kernel)(*tuple(_d.values())))

</pallas_src>

<mosaic_0001>
#map = affine_map<(d0, d1) -> (0, 0)>
#map1 = affine_map<(d0, d1) -> (0)>
module attributes {stable_mosaic.version = 14 : i64} {
  func.func @_sc_gather(%arg0: i32, %arg1: i32, %arg2: memref<8192x128xf32, #tpu.memory_space<hbm>>, %arg3: memref<8192xi32, #tpu.memory_space<hbm>>, %arg4: memref<8192x128xf32, #tpu.memory_space<hbm>>, %arg5: memref<256xi32, #tpu.memory_space<vmem>>, %arg6: memref<256x128xf32, #tpu.memory_space<vmem>>, %arg7: memref<!tpu.dma_semaphore, #tpu.memory_space<semaphore_mem>>) attributes {dimension_semantics = [#tpu.dimension_semantics<core_parallel>, #tpu.dimension_semantics<subcore_parallel>], iteration_bounds = array<i64: 2, 16>, scalar_prefetch = 0 : i64, scratch_operands = 3 : i64, tpu.core_type = #tpu.core_type<sc_vector_subcore>, window_params = [{transform_indices = #map}, {transform_indices = #map1}, {transform_indices = #map}]} {
    %mul3A = arith.constant 2 : i32
    %mul3A_0 = arith.muli %arg1, %mul3A : i32
    %add3A = arith.addi %mul3A_0, %arg0 : i32
    %mul3A_1 = arith.constant 256 : i32
    %mul3A_2 = arith.muli %add3A, %mul3A_1 : i32
    "tpu.region"() ({
      %run_scoped3A = tpu.sem_alloc : memref<!tpu.dma_semaphore, #tpu.memory_space<semaphore_mem>>
      %dma_start3A_7 = tpu.memref_slice %arg3[%mul3A_2] : memref<8192xi32, #tpu.memory_space<hbm>> -> memref<256xi32, #tpu.memory_space<hbm>>
      %dma_start3A_8 = tpu.memref_slice %arg3[%mul3A_2] : memref<8192xi32, #tpu.memory_space<hbm>> -> memref<256xi32, #tpu.memory_space<hbm>>
      tpu.enqueue_dma source(%dma_start3A_8 : memref<256xi32, #tpu.memory_space<hbm>>) target(%arg5 : memref<256xi32, #tpu.memory_space<vmem>>) target_semaphore(%run_scoped3A : memref<!tpu.dma_semaphore, #tpu.memory_space<semaphore_mem>>)
      %dma_wait3A_9 = tpu.memref_slice %arg3[%mul3A_2] : memref<8192xi32, #tpu.memory_space<hbm>> -> memref<256xi32, #tpu.memory_space<hbm>>
      %dma_wait3A_10 = tpu.memref_slice %arg3[%mul3A_2] : memref<8192xi32, #tpu.memory_space<hbm>> -> memref<256xi32, #tpu.memory_space<hbm>>
      tpu.wait_dma2 semaphore(%run_scoped3A : memref<!tpu.dma_semaphore, #tpu.memory_space<semaphore_mem>>) src(%dma_wait3A_10 : memref<256xi32, #tpu.memory_space<hbm>>) dst(%arg5 : memref<256xi32, #tpu.memory_space<vmem>>)
      tpu.yield
    }) : () -> ()
    %dma_start3A = arith.constant 0 : i32
    %dma_start3A_3 = arith.constant 0 : i32
    %dma_start3A_4 = tpu.memref_slice %arg2[%dma_start3A, %dma_start3A_3] : memref<8192x128xf32, #tpu.memory_space<hbm>> -> memref<8192x128xf32, #tpu.memory_space<hbm>>
    tpu.enqueue_indirect_dma source(%dma_start3A_4 : memref<8192x128xf32, #tpu.memory_space<hbm>>) target(%arg6 : memref<256x128xf32, #tpu.memory_space<vmem>>) offsets(%arg5 : memref<256xi32, #tpu.memory_space<vmem>>) semaphore(%arg7 : memref<!tpu.dma_semaphore, #tpu.memory_space<semaphore_mem>>)
    %dma_wait3A = arith.constant 0 : i32
    %dma_wait3A_5 = arith.constant 0 : i32
    %dma_wait3A_6 = tpu.memref_slice %arg2[%dma_wait3A, %dma_wait3A_5] : memref<8192x128xf32, #tpu.memory_space<hbm>> -> memref<8192x128xf32, #tpu.memory_space<hbm>>
    tpu.wait_indirect_dma semaphore(%arg7 : memref<!tpu.dma_semaphore, #tpu.memory_space<semaphore_mem>>) src(%dma_wait3A_6 : memref<8192x128xf32, #tpu.memory_space<hbm>>) dst(%arg6 : memref<256x128xf32, #tpu.memory_space<vmem>>)
    "tpu.region"() ({
      %run_scoped3A = tpu.sem_alloc : memref<!tpu.dma_semaphore, #tpu.memory_space<semaphore_mem>>
      %dma_start3A_7 = arith.constant 0 : i32
      %dma_start3A_8 = tpu.memref_slice %arg4[%mul3A_2, %dma_start3A_7] : memref<8192x128xf32, #tpu.memory_space<hbm>> -> memref<256x128xf32, #tpu.memory_space<hbm>>
      %dma_start3A_9 = arith.constant 0 : i32
      %dma_start3A_10 = tpu.memref_slice %arg4[%mul3A_2, %dma_start3A_9] : memref<8192x128xf32, #tpu.memory_space<hbm>> -> memref<256x128xf32, #tpu.memory_space<hbm>>
      tpu.enqueue_dma source(%arg6 : memref<256x128xf32, #tpu.memory_space<vmem>>) target(%dma_start3A_10 : memref<256x128xf32, #tpu.memory_space<hbm>>) target_semaphore(%run_scoped3A : memref<!tpu.dma_semaphore, #tpu.memory_space<semaphore_mem>>)
      %dma_wait3A_11 = arith.constant 0 : i32
      %dma_wait3A_12 = tpu.memref_slice %arg4[%mul3A_2, %dma_wait3A_11] : memref<8192x128xf32, #tpu.memory_space<hbm>> -> memref<256x128xf32, #tpu.memory_space<hbm>>
      %dma_wait3A_13 = arith.constant 0 : i32
      %dma_wait3A_14 = tpu.memref_slice %arg4[%mul3A_2, %dma_wait3A_13] : memref<8192x128xf32, #tpu.memory_space<hbm>> -> memref<256x128xf32, #tpu.memory_space<hbm>>
      tpu.wait_dma2 semaphore(%run_scoped3A : memref<!tpu.dma_semaphore, #tpu.memory_space<semaphore_mem>>) src(%arg6 : memref<256x128xf32, #tpu.memory_space<vmem>>) dst(%dma_wait3A_14 : memref<256x128xf32, #tpu.memory_space<hbm>>)
      tpu.yield
    }) : () -> ()
    return
  }
}

module attributes {stable_mosaic.version = 14 : i64} {
  func.func @_main_body(%arg0: i32, %arg1: memref<8192x32xf32, #tpu.memory_space<vmem>>, %arg2: memref<8192x128xf32, #tpu.memory_space<vmem>>, %arg3: memref<8192x1xi32, #tpu.memory_space<vmem>>, %arg4: memref<8192x32xf32, #tpu.memory_space<vmem>>, %arg5: memref<64x128xf32, #tpu.memory_space<vmem>>, %arg6: memref<1x1xf32, #tpu.memory_space<vmem>>, %arg7: memref<1x1xf32, #tpu.memory_space<vmem>>, %arg8: memref<1x1xf32, #tpu.memory_space<vmem>>, %arg9: memref<1x1xf32, #tpu.memory_space<vmem>>, %arg10: memref<1x1xf32, #tpu.memory_space<vmem>>, %arg11: memref<1x1xf32, #tpu.memory_space<vmem>>, %arg12: memref<1x1xf32, #tpu.memory_space<vmem>>) attributes {dimension_semantics = [#tpu.dimension_semantics<arbitrary>], iteration_bounds = array<i64: 1>, scalar_prefetch = 0 : i64, scratch_operands = 0 : i64, tpu.core_type = #tpu.core_type<tc>, window_params = [{transform_indices = @transform_0, window_bounds = array<i64: 8192, 32>}, {transform_indices = @transform_1, window_bounds = array<i64: 8192, 128>}, {transform_indices = @transform_2, window_bounds = array<i64: 8192, 1>}, {transform_indices = @transform_3, window_bounds = array<i64: 8192, 32>}, {pipeline_mode = #tpu.pipeline_mode<synchronous>, transform_indices = @transform_4, window_bounds = array<i64: 64, 128>}, {pipeline_mode = #tpu.pipeline_mode<synchronous>, transform_indices = @transform_5, window_bounds = array<i64: 1, 1>}, {pipeline_mode = #tpu.pipeline_mode<synchronous>, transform_indices = @transform_6, window_bounds = array<i64: 1, 1>}, {pipeline_mode = #tpu.pipeline_mode<synchronous>, transform_indices = @transform_7, window_bounds = array<i64: 1, 1>}, {pipeline_mode = #tpu.pipeline_mode<synchronous>, transform_indices = @transform_8, window_bounds = array<i64: 1, 1>}, {pipeline_mode = #tpu.pipeline_mode<synchronous>, transform_indices = @transform_9, window_bounds = array<i64: 1, 1>}, {pipeline_mode = #tpu.pipeline_mode<synchronous>, transform_indices = @transform_10, window_bounds = array<i64: 1, 1>}, {pipeline_mode = #tpu.pipeline_mode<synchronous>, transform_indices = @transform_11, window_bounds = array<i64: 1, 1>}]} {
    %get3A = arith.constant 0 : index
    %get3A_0 = arith.constant 0 : index
    %get3A_1 = vector.load %arg1[%get3A, %get3A_0] : memref<8192x32xf32, #tpu.memory_space<vmem>>, vector<8192x32xf32>
    %get3A_2 = arith.constant 0 : index
    %get3A_3 = arith.constant 0 : index
    %get3A_4 = vector.load %arg2[%get3A_2, %get3A_3] : memref<8192x128xf32, #tpu.memory_space<vmem>>, vector<8192x32xf32>
    %get3A_5 = arith.constant 0 : index
    %get3A_6 = arith.constant 0 : index
    %get3A_7 = vector.load %arg3[%get3A_5, %get3A_6] : memref<8192x1xi32, #tpu.memory_space<vmem>>, vector<8192x1xi32>
    %eq3A = arith.constant 0 : i32
    %eq3A_8 = arith.cmpi eq, %arg0, %eq3A : i32
    %convert_element_type3A = arith.extui %eq3A_8 : i1 to i32
    %cond3A = arith.constant 0 : i32
    %cond3A_9 = arith.cmpi ne, %convert_element_type3A, %cond3A : i32
    scf.if %cond3A_9 {
      %broadcast_in_dim3A_55 = arith.constant 0.000000e+00 : f32
      %broadcast_in_dim3A_56 = vector.broadcast %broadcast_in_dim3A_55 : f32 to vector<64x128xf32>
      %swap3A_57 = arith.constant 0 : index
      %swap3A_58 = arith.constant 0 : index
      %swap3A_59 = vector.load %arg5[%swap3A_57, %swap3A_58] : memref<64x128xf32, #tpu.memory_space<vmem>>, vector<64x128xf32>
      tpu.vector_store %arg5[%swap3A_57, %swap3A_58], %broadcast_in_dim3A_56 {strides = array<i32>} : memref<64x128xf32, #tpu.memory_space<vmem>>, vector<64x128xf32>,
      %broadcast_in_dim3A_60 = arith.constant 0.000000e+00 : f32
      %broadcast_in_dim3A_61 = vector.broadcast %broadcast_in_dim3A_60 : f32 to vector<1x1xf32>
      %swap3A_62 = arith.constant 0 : index
      %swap3A_63 = arith.constant 0 : index
      %swap3A_64 = vector.load %arg6[%swap3A_62, %swap3A_63] : memref<1x1xf32, #tpu.memory_space<vmem>>, vector<1x1xf32>
      tpu.vector_store %arg6[%swap3A_62, %swap3A_63], %broadcast_in_dim3A_61 {strides = array<i32>} : memref<1x1xf32, #tpu.memory_space<vmem>>, vector<1x1xf32>,
    } else {
    }
    %shift_right_arithmetic3A = arith.constant 7 : i32
    %shift_right_arithmetic3A_10 = vector.broadcast %shift_right_arithmetic3A : i32 to vector<8192x1xi32>
    %shift_right_arithmetic3A_11 = arith.shrsi %get3A_7, %shift_right_arithmetic3A_10 : vector<8192x1xi32>
    %and3A = arith.constant 127 : i32
    %and3A_12 = vector.broadcast %and3A : i32 to vector<8192x1xi32>
    %and3A_13 = arith.andi %get3A_7, %and3A_12 : vector<8192x1xi32>
    %iota3A = tpu.iota {dimensions = array<i32: 1>} : vector<8192x64xi32>
    %iota3A_14 = tpu.iota {dimensions = array<i32: 1>} : vector<8192x128xi32>
    %eq3A_15 = vector.broadcast %shift_right_arithmetic3A_11 : vector<8192x1xi32> to vector<8192x64xi32>
    %eq3A_16 = arith.cmpi eq, %iota3A, %eq3A_15 : vector<8192x64xi32>
    %convert_element_type3A_17 = arith.extui %eq3A_16 : vector<8192x64xi1> to vector<8192x64xi32>
    %convert_element_type3A_18 = arith.sitofp %convert_element_type3A_17 : vector<8192x64xi32> to vector<8192x64xf32>
    %eq3A_19 = vector.broadcast %and3A_13 : vector<8192x1xi32> to vector<8192x128xi32>
    %eq3A_20 = arith.cmpi eq, %iota3A_14, %eq3A_19 : vector<8192x128xi32>
    %convert_element_type3A_21 = arith.extui %eq3A_20 : vector<8192x128xi1> to vector<8192x128xi32>
    %convert_element_type3A_22 = arith.sitofp %convert_element_type3A_21 : vector<8192x128xi32> to vector<8192x128xf32>
    %get3A_23 = arith.constant 0 : index
    %get3A_24 = arith.constant 0 : index
    %get3A_25 = vector.load %arg5[%get3A_23, %get3A_24] : memref<64x128xf32, #tpu.memory_space<vmem>>, vector<64x128xf32>
    %dot_general3A = arith.constant dense<0.000000e+00> : vector<64x128xf32>
    %dot_general3A_26 = tpu.matmul %convert_element_type3A_18, %convert_element_type3A_22, %dot_general3A {dimension_numbers = #tpu.dot_dimension_numbers<[0], [0], [1], [1], [0, 1, 1, 1], [], []>, transpose_lhs_hint = false} : vector<8192x64xf32>, vector<8192x128xf32>, vector<64x128xf32> -> vector<64x128xf32>
    %add3A = arith.addf %get3A_25, %dot_general3A_26 : vector<64x128xf32>
    %swap3A = arith.constant 0 : index
    %swap3A_27 = arith.constant 0 : index
    %swap3A_28 = vector.load %arg5[%swap3A, %swap3A_27] : memref<64x128xf32, #tpu.memory_space<vmem>>, vector<64x128xf32>
    tpu.vector_store %arg5[%swap3A, %swap3A_27], %add3A {strides = array<i32>} : memref<64x128xf32, #tpu.memory_space<vmem>>, vector<64x128xf32>,
    %sub3A = arith.subf %get3A_4, %get3A_1 : vector<8192x32xf32>
    %add3A_29 = arith.addf %get3A_1, %sub3A : vector<8192x32xf32>
    %swap3A_30 = arith.constant 0 : index
    %swap3A_31 = arith.constant 0 : index
    %swap3A_32 = vector.load %arg4[%swap3A_30, %swap3A_31] : memref<8192x32xf32, #tpu.memory_space<vmem>>, vector<8192x32xf32>
    tpu.vector_store %arg4[%swap3A_30, %swap3A_31], %add3A_29 {strides = array<i32>} : memref<8192x32xf32, #tpu.memory_space<vmem>>, vector<8192x32xf32>,
    %sub3A_33 = arith.subf %get3A_1, %get3A_4 : vector<8192x32xf32>
    %integer_pow3A = arith.mulf %sub3A_33, %sub3A_33 : vector<8192x32xf32>
    %reduce_sum3A = arith.constant dense<0.000000e+00> : vector<8192xf32>
    %reduce_sum3A_34 = vector.multi_reduction <add>, %integer_pow3A, %reduce_sum3A [1] : vector<8192x32xf32> to vector<8192xf32>
    %broadcast_in_dim3A = vector.shape_cast %reduce_sum3A_34 : vector<8192xf32> to vector<8192x1xf32>
    %mul3A = arith.constant 3.125000e-02 : f32
    %mul3A_35 = vector.broadcast %mul3A : f32 to vector<8192x1xf32>
    %mul3A_36 = arith.mulf %broadcast_in_dim3A, %mul3A_35 : vector<8192x1xf32>
    %get3A_37 = arith.constant 0 : index
    %get3A_38 = arith.constant 0 : index
    %get3A_39 = vector.load %arg6[%get3A_37, %get3A_38] : memref<1x1xf32, #tpu.memory_space<vmem>>, vector<1x1xf32>
    %reduce_sum3A_40 = vector.shape_cast %mul3A_36 : vector<8192x1xf32> to vector<1x8192x1xf32>
    %reduce_sum3A_41 = arith.constant dense<0.000000e+00> : vector<1xf32>
    %reduce_sum3A_42 = vector.multi_reduction <add>, %reduce_sum3A_40, %reduce_sum3A_41 [1, 2] : vector<1x8192x1xf32> to vector<1xf32>
    %reduce_sum3A_43 = vector.shape_cast %reduce_sum3A_42 : vector<1xf32> to vector<1x1x1xf32>
    %reduce_sum3A_44 = vector.extract %reduce_sum3A_43[0, 0, 0] : f32 from vector<1x1x1xf32>
    %broadcast_in_dim3A_45 = vector.broadcast %reduce_sum3A_44 : f32 to vector<1x1xf32>
    %add3A_46 = arith.addf %get3A_39, %broadcast_in_dim3A_45 : vector<1x1xf32>
    %swap3A_47 = arith.constant 0 : index
    %swap3A_48 = arith.constant 0 : index
    %swap3A_49 = vector.load %arg6[%swap3A_47, %swap3A_48] : memref<1x1xf32, #tpu.memory_space<vmem>>, vector<1x1xf32>
    tpu.vector_store %arg6[%swap3A_47, %swap3A_48], %add3A_46 {strides = array<i32>} : memref<1x1xf32, #tpu.memory_space<vmem>>, vector<1x1xf32>,
    %eq3A_50 = arith.constant 0 : i32
    %eq3A_51 = arith.cmpi eq, %arg0, %eq3A_50 : i32
    %convert_element_type3A_52 = arith.extui %eq3A_51 : i1 to i32
    %cond3A_53 = arith.constant 0 : i32
    %cond3A_54 = arith.cmpi ne, %convert_element_type3A_52, %cond3A_53 : i32
    scf.if %cond3A_54 {
      %get3A_55 = arith.constant 0 : index
      %get3A_56 = arith.constant 0 : index
      %get3A_57 = vector.load %arg5[%get3A_55, %get3A_56] : memref<64x128xf32, #tpu.memory_space<vmem>>, vector<64x128xf32>
      %reduce_sum3A_58 = vector.shape_cast %get3A_57 : vector<64x128xf32> to vector<1x64x128xf32>
      %reduce_sum3A_59 = arith.constant dense<0.000000e+00> : vector<1xf32>
      %reduce_sum3A_60 = vector.multi_reduction <add>, %reduce_sum3A_58, %reduce_sum3A_59 [1, 2] : vector<1x64x128xf32> to vector<1xf32>
      %reduce_sum3A_61 = vector.shape_cast %reduce_sum3A_60 : vector<1xf32> to vector<1x1x1xf32>
      %reduce_sum3A_62 = vector.extract %reduce_sum3A_61[0, 0, 0] : f32 from vector<1x1x1xf32>
      %jit3A = arith.constant 9.99999997E-7 : f32
      %max3A = arith.maximumf %jit3A, %reduce_sum3A_62 : f32
      %div3A = vector.broadcast %max3A : f32 to vector<64x128xf32>
      %div3A_63 = arith.divf %get3A_57, %div3A : vector<64x128xf32>
      %add3A_64 = arith.constant 1.000000e-07 : f32
      %add3A_65 = vector.broadcast %add3A_64 : f32 to vector<64x128xf32>
      %add3A_66 = arith.addf %div3A_63, %add3A_65 : vector<64x128xf32>
      %log3A = math.log %add3A_66 : vector<64x128xf32>
      %mul3A_67 = arith.mulf %div3A_63, %log3A : vector<64x128xf32>
      %reduce_sum3A_68 = vector.shape_cast %mul3A_67 : vector<64x128xf32> to vector<1x64x128xf32>
      %reduce_sum3A_69 = arith.constant dense<0.000000e+00> : vector<1xf32>
      %reduce_sum3A_70 = vector.multi_reduction <add>, %reduce_sum3A_68, %reduce_sum3A_69 [1, 2] : vector<1x64x128xf32> to vector<1xf32>
      %reduce_sum3A_71 = vector.shape_cast %reduce_sum3A_70 : vector<1xf32> to vector<1x1x1xf32>
      %reduce_sum3A_72 = vector.extract %reduce_sum3A_71[0, 0, 0] : f32 from vector<1x1x1xf32>
      %neg3A = arith.constant 0.000000e+00 : f32
      %neg3A_73 = arith.subf %neg3A, %reduce_sum3A_72 : f32
      %exp3A = math.exp %neg3A_73 : f32
      %reshape3A = vector.broadcast %exp3A : f32 to vector<1x1xf32>
      %swap3A_74 = arith.constant 0 : index
      %swap3A_75 = arith.constant 0 : index
      %swap3A_76 = vector.load %arg7[%swap3A_74, %swap3A_75] : memref<1x1xf32, #tpu.memory_space<vmem>>, vector<1x1xf32>
      tpu.vector_store %arg7[%swap3A_74, %swap3A_75], %reshape3A {strides = array<i32>} : memref<1x1xf32, #tpu.memory_space<vmem>>, vector<1x1xf32>,
      %ge3A = arith.constant 1.000000e+00 : f32
      %ge3A_77 = vector.broadcast %ge3A : f32 to vector<64x128xf32>
      %ge3A_78 = arith.cmpf oge, %get3A_57, %ge3A_77 : vector<64x128xf32>
      %convert_element_type3A_79 = arith.extui %ge3A_78 : vector<64x128xi1> to vector<64x128xi32>
      %convert_element_type3A_80 = arith.sitofp %convert_element_type3A_79 : vector<64x128xi32> to vector<64x128xf32>
      %reduce_sum3A_81 = vector.shape_cast %convert_element_type3A_80 : vector<64x128xf32> to vector<1x64x128xf32>
      %reduce_sum3A_82 = arith.constant dense<0.000000e+00> : vector<1xf32>
      %reduce_sum3A_83 = vector.multi_reduction <add>, %reduce_sum3A_81, %reduce_sum3A_82 [1, 2] : vector<1x64x128xf32> to vector<1xf32>
      %reduce_sum3A_84 = vector.shape_cast %reduce_sum3A_83 : vector<1xf32> to vector<1x1x1xf32>
      %reduce_sum3A_85 = vector.extract %reduce_sum3A_84[0, 0, 0] : f32 from vector<1x1x1xf32>
      %mul3A_86 = arith.constant 1.22070313E-4 : f32
      %mul3A_87 = arith.mulf %reduce_sum3A_85, %mul3A_86 : f32
      %reshape3A_88 = vector.broadcast %mul3A_87 : f32 to vector<1x1xf32>
      %swap3A_89 = arith.constant 0 : index
      %swap3A_90 = arith.constant 0 : index
      %swap3A_91 = vector.load %arg8[%swap3A_89, %swap3A_90] : memref<1x1xf32, #tpu.memory_space<vmem>>, vector<1x1xf32>
      tpu.vector_store %arg8[%swap3A_89, %swap3A_90], %reshape3A_88 {strides = array<i32>} : memref<1x1xf32, #tpu.memory_space<vmem>>, vector<1x1xf32>,
      %reduce_min3A = vector.shape_cast %get3A_57 : vector<64x128xf32> to vector<1x64x128xf32>
      %reduce_min3A_92 = arith.constant dense<0x7F800000> : vector<1xf32>
      %reduce_min3A_93 = vector.multi_reduction <minimumf>, %reduce_min3A, %reduce_min3A_92 [1, 2] : vector<1x64x128xf32> to vector<1xf32>
      %reduce_min3A_94 = vector.shape_cast %reduce_min3A_93 : vector<1xf32> to vector<1x1x1xf32>
      %reduce_min3A_95 = vector.extract %reduce_min3A_94[0, 0, 0] : f32 from vector<1x1x1xf32>
      %reshape3A_96 = vector.broadcast %reduce_min3A_95 : f32 to vector<1x1xf32>
      %swap3A_97 = arith.constant 0 : index
      %swap3A_98 = arith.constant 0 : index
      %swap3A_99 = vector.load %arg10[%swap3A_97, %swap3A_98] : memref<1x1xf32, #tpu.memory_space<vmem>>, vector<1x1xf32>
      tpu.vector_store %arg10[%swap3A_97, %swap3A_98], %reshape3A_96 {strides = array<i32>} : memref<1x1xf32, #tpu.memory_space<vmem>>, vector<1x1xf32>,
      %scan3A = arith.constant 0 : i32
      %scan3A_100 = arith.constant 8192 : i32
      %scan3A_101 = arith.constant 0 : i32
      %scan3A_102 = arith.constant 14 : i32
      %scan3A_103 = arith.addi %scan3A_101, %scan3A_102 : i32
      %scan3A_104 = arith.constant 1 : i32
      %scan3A_105:2 = scf.for %scan3A_187 = %scan3A_101 to %scan3A_103 step %scan3A_104 iter_args(%scan3A_188 = %scan3A, %scan3A_189 = %scan3A_100) -> (i32, i32)  : i32 {
        %add3A_190 = arith.addi %scan3A_188, %scan3A_189 : i32
        %jit3A_191 = arith.constant 2 : i32
        %div3A_192 = arith.divsi %add3A_190, %jit3A_191 : i32
        %sign3A = arith.constant 0 : i32
        %sign3A_193 = arith.cmpi sgt, %add3A_190, %sign3A : i32
        %sign3A_194 = arith.extui %sign3A_193 : i1 to i32
        %sign3A_195 = arith.constant 0 : i32
        %sign3A_196 = arith.cmpi slt, %add3A_190, %sign3A_195 : i32
        %sign3A_197 = arith.extui %sign3A_196 : i1 to i32
        %sign3A_198 = arith.subi %sign3A_194, %sign3A_197 : i32
        %sign3A_199 = arith.constant 0 : i32
        %sign3A_200 = arith.cmpi sgt, %jit3A_191, %sign3A_199 : i32
        %sign3A_201 = arith.extui %sign3A_200 : i1 to i32
        %sign3A_202 = arith.constant 0 : i32
        %sign3A_203 = arith.cmpi slt, %jit3A_191, %sign3A_202 : i32
        %sign3A_204 = arith.extui %sign3A_203 : i1 to i32
        %sign3A_205 = arith.subi %sign3A_201, %sign3A_204 : i32
        %ne3A = arith.cmpi ne, %sign3A_198, %sign3A_205 : i32
        %rem3A = arith.remsi %add3A_190, %jit3A_191 : i32
        %ne3A_206 = arith.constant 0 : i32
        %ne3A_207 = arith.cmpi ne, %rem3A, %ne3A_206 : i32
        %and3A_208 = arith.andi %ne3A, %ne3A_207 : i1
        %sub3A_209 = arith.constant 1 : i32
        %sub3A_210 = arith.subi %div3A_192, %sub3A_209 : i32
        %select_n3A = arith.select %and3A_208, %sub3A_210, %div3A_192 : i32
        %convert_element_type3A_211 = arith.sitofp %select_n3A : i32 to f32
        %le3A = vector.broadcast %convert_element_type3A_211 : f32 to vector<64x128xf32>
        %le3A_212 = arith.cmpf ole, %get3A_57, %le3A : vector<64x128xf32>
        %convert_element_type3A_213 = arith.extui %le3A_212 : vector<64x128xi1> to vector<64x128xi32>
        %convert_element_type3A_214 = arith.sitofp %convert_element_type3A_213 : vector<64x128xi32> to vector<64x128xf32>
        %reduce_sum3A_215 = vector.shape_cast %convert_element_type3A_214 : vector<64x128xf32> to vector<1x64x128xf32>
        %reduce_sum3A_216 = arith.constant dense<0.000000e+00> : vector<1xf32>
        %reduce_sum3A_217 = vector.multi_reduction <add>, %reduce_sum3A_215, %reduce_sum3A_216 [1, 2] : vector<1x64x128xf32> to vector<1xf32>
        %reduce_sum3A_218 = vector.shape_cast %reduce_sum3A_217 : vector<1xf32> to vector<1x1x1xf32>
        %reduce_sum3A_219 = vector.extract %reduce_sum3A_218[0, 0, 0] : f32 from vector<1x1x1xf32>
        %ge3A_220 = arith.constant 4.096000e+03 : f32
        %ge3A_221 = arith.cmpf oge, %reduce_sum3A_219, %ge3A_220 : f32
        %add3A_222 = arith.constant 1 : i32
        %add3A_223 = arith.addi %select_n3A, %add3A_222 : i32
        %select_n3A_224 = arith.select %ge3A_221, %scan3A_188, %add3A_223 : i32
        %select_n3A_225 = arith.select %ge3A_221, %select_n3A, %scan3A_189 : i32
        scf.yield %select_n3A_224, %select_n3A_225 : i32, i32
      }
      %convert_element_type3A_106 = arith.sitofp %scan3A_105#1 : i32 to f32
      %scan3A_107 = arith.constant 0 : i32
      %scan3A_108 = arith.constant 8192 : i32
      %scan3A_109 = arith.constant 0 : i32
      %scan3A_110 = arith.constant 14 : i32
      %scan3A_111 = arith.addi %scan3A_109, %scan3A_110 : i32
      %scan3A_112 = arith.constant 1 : i32
      %scan3A_113:2 = scf.for %scan3A_187 = %scan3A_109 to %scan3A_111 step %scan3A_112 iter_args(%scan3A_188 = %scan3A_107, %scan3A_189 = %scan3A_108) -> (i32, i32)  : i32 {
        %add3A_190 = arith.addi %scan3A_188, %scan3A_189 : i32
        %jit3A_191 = arith.constant 2 : i32
        %div3A_192 = arith.divsi %add3A_190, %jit3A_191 : i32
        %sign3A = arith.constant 0 : i32
        %sign3A_193 = arith.cmpi sgt, %add3A_190, %sign3A : i32
        %sign3A_194 = arith.extui %sign3A_193 : i1 to i32
        %sign3A_195 = arith.constant 0 : i32
        %sign3A_196 = arith.cmpi slt, %add3A_190, %sign3A_195 : i32
        %sign3A_197 = arith.extui %sign3A_196 : i1 to i32
        %sign3A_198 = arith.subi %sign3A_194, %sign3A_197 : i32
        %sign3A_199 = arith.constant 0 : i32
        %sign3A_200 = arith.cmpi sgt, %jit3A_191, %sign3A_199 : i32
        %sign3A_201 = arith.extui %sign3A_200 : i1 to i32
        %sign3A_202 = arith.constant 0 : i32
        %sign3A_203 = arith.cmpi slt, %jit3A_191, %sign3A_202 : i32
        %sign3A_204 = arith.extui %sign3A_203 : i1 to i32
        %sign3A_205 = arith.subi %sign3A_201, %sign3A_204 : i32
        %ne3A = arith.cmpi ne, %sign3A_198, %sign3A_205 : i32
        %rem3A = arith.remsi %add3A_190, %jit3A_191 : i32
        %ne3A_206 = arith.constant 0 : i32
        %ne3A_207 = arith.cmpi ne, %rem3A, %ne3A_206 : i32
        %and3A_208 = arith.andi %ne3A, %ne3A_207 : i1
        %sub3A_209 = arith.constant 1 : i32
        %sub3A_210 = arith.subi %div3A_192, %sub3A_209 : i32
        %select_n3A = arith.select %and3A_208, %sub3A_210, %div3A_192 : i32
        %convert_element_type3A_211 = arith.sitofp %select_n3A : i32 to f32
        %le3A = vector.broadcast %convert_element_type3A_211 : f32 to vector<64x128xf32>
        %le3A_212 = arith.cmpf ole, %get3A_57, %le3A : vector<64x128xf32>
        %convert_element_type3A_213 = arith.extui %le3A_212 : vector<64x128xi1> to vector<64x128xi32>
        %convert_element_type3A_214 = arith.sitofp %convert_element_type3A_213 : vector<64x128xi32> to vector<64x128xf32>
        %reduce_sum3A_215 = vector.shape_cast %convert_element_type3A_214 : vector<64x128xf32> to vector<1x64x128xf32>
        %reduce_sum3A_216 = arith.constant dense<0.000000e+00> : vector<1xf32>
        %reduce_sum3A_217 = vector.multi_reduction <add>, %reduce_sum3A_215, %reduce_sum3A_216 [1, 2] : vector<1x64x128xf32> to vector<1xf32>
        %reduce_sum3A_218 = vector.shape_cast %reduce_sum3A_217 : vector<1xf32> to vector<1x1x1xf32>
        %reduce_sum3A_219 = vector.extract %reduce_sum3A_218[0, 0, 0] : f32 from vector<1x1x1xf32>
        %ge3A_220 = arith.constant 4.097000e+03 : f32
        %ge3A_221 = arith.cmpf oge, %reduce_sum3A_219, %ge3A_220 : f32
        %add3A_222 = arith.constant 1 : i32
        %add3A_223 = arith.addi %select_n3A, %add3A_222 : i32
        %select_n3A_224 = arith.select %ge3A_221, %scan3A_188, %add3A_223 : i32
        %select_n3A_225 = arith.select %ge3A_221, %select_n3A, %scan3A_189 : i32
        scf.yield %select_n3A_224, %select_n3A_225 : i32, i32
      }
      %convert_element_type3A_114 = arith.sitofp %scan3A_113#1 : i32 to f32
      %scan3A_115 = arith.constant 0 : i32
      %scan3A_116 = arith.constant 8192 : i32
      %scan3A_117 = arith.constant 0 : i32
      %scan3A_118 = arith.constant 14 : i32
      %scan3A_119 = arith.addi %scan3A_117, %scan3A_118 : i32
      %scan3A_120 = arith.constant 1 : i32
      %scan3A_121:2 = scf.for %scan3A_187 = %scan3A_117 to %scan3A_119 step %scan3A_120 iter_args(%scan3A_188 = %scan3A_115, %scan3A_189 = %scan3A_116) -> (i32, i32)  : i32 {
        %add3A_190 = arith.addi %scan3A_188, %scan3A_189 : i32
        %jit3A_191 = arith.constant 2 : i32
        %div3A_192 = arith.divsi %add3A_190, %jit3A_191 : i32
        %sign3A = arith.constant 0 : i32
        %sign3A_193 = arith.cmpi sgt, %add3A_190, %sign3A : i32
        %sign3A_194 = arith.extui %sign3A_193 : i1 to i32
        %sign3A_195 = arith.constant 0 : i32
        %sign3A_196 = arith.cmpi slt, %add3A_190, %sign3A_195 : i32
        %sign3A_197 = arith.extui %sign3A_196 : i1 to i32
        %sign3A_198 = arith.subi %sign3A_194, %sign3A_197 : i32
        %sign3A_199 = arith.constant 0 : i32
        %sign3A_200 = arith.cmpi sgt, %jit3A_191, %sign3A_199 : i32
        %sign3A_201 = arith.extui %sign3A_200 : i1 to i32
        %sign3A_202 = arith.constant 0 : i32
        %sign3A_203 = arith.cmpi slt, %jit3A_191, %sign3A_202 : i32
        %sign3A_204 = arith.extui %sign3A_203 : i1 to i32
        %sign3A_205 = arith.subi %sign3A_201, %sign3A_204 : i32
        %ne3A = arith.cmpi ne, %sign3A_198, %sign3A_205 : i32
        %rem3A = arith.remsi %add3A_190, %jit3A_191 : i32
        %ne3A_206 = arith.constant 0 : i32
        %ne3A_207 = arith.cmpi ne, %rem3A, %ne3A_206 : i32
        %and3A_208 = arith.andi %ne3A, %ne3A_207 : i1
        %sub3A_209 = arith.constant 1 : i32
        %sub3A_210 = arith.subi %div3A_192, %sub3A_209 : i32
        %select_n3A = arith.select %and3A_208, %sub3A_210, %div3A_192 : i32
        %convert_element_type3A_211 = arith.sitofp %select_n3A : i32 to f32
        %le3A = vector.broadcast %convert_element_type3A_211 : f32 to vector<64x128xf32>
        %le3A_212 = arith.cmpf ole, %get3A_57, %le3A : vector<64x128xf32>
        %convert_element_type3A_213 = arith.extui %le3A_212 : vector<64x128xi1> to vector<64x128xi32>
        %convert_element_type3A_214 = arith.sitofp %convert_element_type3A_213 : vector<64x128xi32> to vector<64x128xf32>
        %reduce_sum3A_215 = vector.shape_cast %convert_element_type3A_214 : vector<64x128xf32> to vector<1x64x128xf32>
        %reduce_sum3A_216 = arith.constant dense<0.000000e+00> : vector<1xf32>
        %reduce_sum3A_217 = vector.multi_reduction <add>, %reduce_sum3A_215, %reduce_sum3A_216 [1, 2] : vector<1x64x128xf32> to vector<1xf32>
        %reduce_sum3A_218 = vector.shape_cast %reduce_sum3A_217 : vector<1xf32> to vector<1x1x1xf32>
        %reduce_sum3A_219 = vector.extract %reduce_sum3A_218[0, 0, 0] : f32 from vector<1x1x1xf32>
        %ge3A_220 = arith.constant 7.782000e+03 : f32
        %ge3A_221 = arith.cmpf oge, %reduce_sum3A_219, %ge3A_220 : f32
        %add3A_222 = arith.constant 1 : i32
        %add3A_223 = arith.addi %select_n3A, %add3A_222 : i32
        %select_n3A_224 = arith.select %ge3A_221, %scan3A_188, %add3A_223 : i32
        %select_n3A_225 = arith.select %ge3A_221, %select_n3A, %scan3A_189 : i32
        scf.yield %select_n3A_224, %select_n3A_225 : i32, i32
      }
      %convert_element_type3A_122 = arith.sitofp %scan3A_121#1 : i32 to f32
      %scan3A_123 = arith.constant 0 : i32
      %scan3A_124 = arith.constant 8192 : i32
      %scan3A_125 = arith.constant 0 : i32
      %scan3A_126 = arith.constant 14 : i32
      %scan3A_127 = arith.addi %scan3A_125, %scan3A_126 : i32
      %scan3A_128 = arith.constant 1 : i32
      %scan3A_129:2 = scf.for %scan3A_187 = %scan3A_125 to %scan3A_127 step %scan3A_128 iter_args(%scan3A_188 = %scan3A_123, %scan3A_189 = %scan3A_124) -> (i32, i32)  : i32 {
        %add3A_190 = arith.addi %scan3A_188, %scan3A_189 : i32
        %jit3A_191 = arith.constant 2 : i32
        %div3A_192 = arith.divsi %add3A_190, %jit3A_191 : i32
        %sign3A = arith.constant 0 : i32
        %sign3A_193 = arith.cmpi sgt, %add3A_190, %sign3A : i32
        %sign3A_194 = arith.extui %sign3A_193 : i1 to i32
        %sign3A_195 = arith.constant 0 : i32
        %sign3A_196 = arith.cmpi slt, %add3A_190, %sign3A_195 : i32
        %sign3A_197 = arith.extui %sign3A_196 : i1 to i32
        %sign3A_198 = arith.subi %sign3A_194, %sign3A_197 : i32
        %sign3A_199 = arith.constant 0 : i32
        %sign3A_200 = arith.cmpi sgt, %jit3A_191, %sign3A_199 : i32
        %sign3A_201 = arith.extui %sign3A_200 : i1 to i32
        %sign3A_202 = arith.constant 0 : i32
        %sign3A_203 = arith.cmpi slt, %jit3A_191, %sign3A_202 : i32
        %sign3A_204 = arith.extui %sign3A_203 : i1 to i32
        %sign3A_205 = arith.subi %sign3A_201, %sign3A_204 : i32
        %ne3A = arith.cmpi ne, %sign3A_198, %sign3A_205 : i32
        %rem3A = arith.remsi %add3A_190, %jit3A_191 : i32
        %ne3A_206 = arith.constant 0 : i32
        %ne3A_207 = arith.cmpi ne, %rem3A, %ne3A_206 : i32
        %and3A_208 = arith.andi %ne3A, %ne3A_207 : i1
        %sub3A_209 = arith.constant 1 : i32
        %sub3A_210 = arith.subi %div3A_192, %sub3A_209 : i32
        %select_n3A = arith.select %and3A_208, %sub3A_210, %div3A_192 : i32
        %convert_element_type3A_211 = arith.sitofp %select_n3A : i32 to f32
        %le3A = vector.broadcast %convert_element_type3A_211 : f32 to vector<64x128xf32>
        %le3A_212 = arith.cmpf ole, %get3A_57, %le3A : vector<64x128xf32>
        %convert_element_type3A_213 = arith.extui %le3A_212 : vector<64x128xi1> to vector<64x128xi32>
        %convert_element_type3A_214 = arith.sitofp %convert_element_type3A_213 : vector<64x128xi32> to vector<64x128xf32>
        %reduce_sum3A_215 = vector.shape_cast %convert_element_type3A_214 : vector<64x128xf32> to vector<1x64x128xf32>
        %reduce_sum3A_216 = arith.constant dense<0.000000e+00> : vector<1xf32>
        %reduce_sum3A_217 = vector.multi_reduction <add>, %reduce_sum3A_215, %reduce_sum3A_216 [1, 2] : vector<1x64x128xf32> to vector<1xf32>
        %reduce_sum3A_218 = vector.shape_cast %reduce_sum3A_217 : vector<1xf32> to vector<1x1x1xf32>
        %reduce_sum3A_219 = vector.extract %reduce_sum3A_218[0, 0, 0] : f32 from vector<1x1x1xf32>
        %ge3A_220 = arith.constant 7.783000e+03 : f32
        %ge3A_221 = arith.cmpf oge, %reduce_sum3A_219, %ge3A_220 : f32
        %add3A_222 = arith.constant 1 : i32
        %add3A_223 = arith.addi %select_n3A, %add3A_222 : i32
        %select_n3A_224 = arith.select %ge3A_221, %scan3A_188, %add3A_223 : i32
        %select_n3A_225 = arith.select %ge3A_221, %select_n3A, %scan3A_189 : i32
        scf.yield %select_n3A_224, %select_n3A_225 : i32, i32
      }
      %convert_element_type3A_130 = arith.sitofp %scan3A_129#1 : i32 to f32
      %scan3A_131 = arith.constant 0 : i32
      %scan3A_132 = arith.constant 8192 : i32
      %scan3A_133 = arith.constant 0 : i32
      %scan3A_134 = arith.constant 14 : i32
      %scan3A_135 = arith.addi %scan3A_133, %scan3A_134 : i32
      %scan3A_136 = arith.constant 1 : i32
      %scan3A_137:2 = scf.for %scan3A_187 = %scan3A_133 to %scan3A_135 step %scan3A_136 iter_args(%scan3A_188 = %scan3A_131, %scan3A_189 = %scan3A_132) -> (i32, i32)  : i32 {
        %add3A_190 = arith.addi %scan3A_188, %scan3A_189 : i32
        %jit3A_191 = arith.constant 2 : i32
        %div3A_192 = arith.divsi %add3A_190, %jit3A_191 : i32
        %sign3A = arith.constant 0 : i32
        %sign3A_193 = arith.cmpi sgt, %add3A_190, %sign3A : i32
        %sign3A_194 = arith.extui %sign3A_193 : i1 to i32
        %sign3A_195 = arith.constant 0 : i32
        %sign3A_196 = arith.cmpi slt, %add3A_190, %sign3A_195 : i32
        %sign3A_197 = arith.extui %sign3A_196 : i1 to i32
        %sign3A_198 = arith.subi %sign3A_194, %sign3A_197 : i32
        %sign3A_199 = arith.constant 0 : i32
        %sign3A_200 = arith.cmpi sgt, %jit3A_191, %sign3A_199 : i32
        %sign3A_201 = arith.extui %sign3A_200 : i1 to i32
        %sign3A_202 = arith.constant 0 : i32
        %sign3A_203 = arith.cmpi slt, %jit3A_191, %sign3A_202 : i32
        %sign3A_204 = arith.extui %sign3A_203 : i1 to i32
        %sign3A_205 = arith.subi %sign3A_201, %sign3A_204 : i32
        %ne3A = arith.cmpi ne, %sign3A_198, %sign3A_205 : i32
        %rem3A = arith.remsi %add3A_190, %jit3A_191 : i32
        %ne3A_206 = arith.constant 0 : i32
        %ne3A_207 = arith.cmpi ne, %rem3A, %ne3A_206 : i32
        %and3A_208 = arith.andi %ne3A, %ne3A_207 : i1
        %sub3A_209 = arith.constant 1 : i32
        %sub3A_210 = arith.subi %div3A_192, %sub3A_209 : i32
        %select_n3A = arith.select %and3A_208, %sub3A_210, %div3A_192 : i32
        %convert_element_type3A_211 = arith.sitofp %select_n3A : i32 to f32
        %le3A = vector.broadcast %convert_element_type3A_211 : f32 to vector<64x128xf32>
        %le3A_212 = arith.cmpf ole, %get3A_57, %le3A : vector<64x128xf32>
        %convert_element_type3A_213 = arith.extui %le3A_212 : vector<64x128xi1> to vector<64x128xi32>
        %convert_element_type3A_214 = arith.sitofp %convert_element_type3A_213 : vector<64x128xi32> to vector<64x128xf32>
        %reduce_sum3A_215 = vector.shape_cast %convert_element_type3A_214 : vector<64x128xf32> to vector<1x64x128xf32>
        %reduce_sum3A_216 = arith.constant dense<0.000000e+00> : vector<1xf32>
        %reduce_sum3A_217 = vector.multi_reduction <add>, %reduce_sum3A_215, %reduce_sum3A_216 [1, 2] : vector<1x64x128xf32> to vector<1xf32>
        %reduce_sum3A_218 = vector.shape_cast %reduce_sum3A_217 : vector<1xf32> to vector<1x1x1xf32>
        %reduce_sum3A_219 = vector.extract %reduce_sum3A_218[0, 0, 0] : f32 from vector<1x1x1xf32>
        %ge3A_220 = arith.constant 8.183000e+03 : f32
        %ge3A_221 = arith.cmpf oge, %reduce_sum3A_219, %ge3A_220 : f32
        %add3A_222 = arith.constant 1 : i32
        %add3A_223 = arith.addi %select_n3A, %add3A_222 : i32
        %select_n3A_224 = arith.select %ge3A_221, %scan3A_188, %add3A_223 : i32
        %select_n3A_225 = arith.select %ge3A_221, %select_n3A, %scan3A_189 : i32
        scf.yield %select_n3A_224, %select_n3A_225 : i32, i32
      }
      %convert_element_type3A_138 = arith.sitofp %scan3A_137#1 : i32 to f32
      %add3A_139 = arith.addf %convert_element_type3A_106, %convert_element_type3A_114 : f32
      %mul3A_140 = arith.constant 5.000000e-01 : f32
      %mul3A_141 = arith.mulf %add3A_139, %mul3A_140 : f32
      %reshape3A_142 = vector.broadcast %mul3A_141 : f32 to vector<1x1xf32>
      %swap3A_143 = arith.constant 0 : index
      %swap3A_144 = arith.constant 0 : index
      %swap3A_145 = vector.load %arg11[%swap3A_143, %swap3A_144] : memref<1x1xf32, #tpu.memory_space<vmem>>, vector<1x1xf32>
      tpu.vector_store %arg11[%swap3A_143, %swap3A_144], %reshape3A_142 {strides = array<i32>} : memref<1x1xf32, #tpu.memory_space<vmem>>, vector<1x1xf32>,
      %mul3A_146 = arith.constant 0.949999988 : f32
      %mul3A_147 = arith.constant 8.191000e+03 : f32
      %mul3A_148 = arith.mulf %mul3A_146, %mul3A_147 : f32
      %sub3A_149 = arith.constant 7.781000e+03 : f32
      %sub3A_150 = arith.subf %mul3A_148, %sub3A_149 : f32
      %sub3A_151 = arith.constant 1.000000e+00 : f32
      %sub3A_152 = arith.subf %sub3A_151, %sub3A_150 : f32
      %mul3A_153 = arith.mulf %convert_element_type3A_122, %sub3A_152 : f32
      %mul3A_154 = arith.mulf %convert_element_type3A_130, %sub3A_150 : f32
      %add3A_155 = arith.addf %mul3A_153, %mul3A_154 : f32
      %reshape3A_156 = vector.broadcast %add3A_155 : f32 to vector<1x1xf32>
      %swap3A_157 = arith.constant 0 : index
      %swap3A_158 = arith.constant 0 : index
      %swap3A_159 = vector.load %arg12[%swap3A_157, %swap3A_158] : memref<1x1xf32, #tpu.memory_space<vmem>>, vector<1x1xf32>
      tpu.vector_store %arg12[%swap3A_157, %swap3A_158], %reshape3A_156 {strides = array<i32>} : memref<1x1xf32, #tpu.memory_space<vmem>>, vector<1x1xf32>,
      %gt3A = vector.broadcast %convert_element_type3A_138 : f32 to vector<64x128xf32>
      %gt3A_160 = arith.cmpf ogt, %get3A_57, %gt3A : vector<64x128xf32>
      %convert_element_type3A_161 = arith.extui %gt3A_160 : vector<64x128xi1> to vector<64x128xi32>
      %convert_element_type3A_162 = arith.sitofp %convert_element_type3A_161 : vector<64x128xi32> to vector<64x128xf32>
      %reduce_sum3A_163 = vector.shape_cast %convert_element_type3A_162 : vector<64x128xf32> to vector<1x64x128xf32>
      %reduce_sum3A_164 = arith.constant dense<0.000000e+00> : vector<1xf32>
      %reduce_sum3A_165 = vector.multi_reduction <add>, %reduce_sum3A_163, %reduce_sum3A_164 [1, 2] : vector<1x64x128xf32> to vector<1xf32>
      %reduce_sum3A_166 = vector.shape_cast %reduce_sum3A_165 : vector<1xf32> to vector<1x1x1xf32>
      %reduce_sum3A_167 = vector.extract %reduce_sum3A_166[0, 0, 0] : f32 from vector<1x1x1xf32>
      %gt3A_168 = vector.broadcast %convert_element_type3A_138 : f32 to vector<64x128xf32>
      %gt3A_169 = arith.cmpf ogt, %get3A_57, %gt3A_168 : vector<64x128xf32>
      %convert_element_type3A_170 = arith.extui %gt3A_169 : vector<64x128xi1> to vector<64x128xi32>
      %convert_element_type3A_171 = arith.sitofp %convert_element_type3A_170 : vector<64x128xi32> to vector<64x128xf32>
      %mul3A_172 = arith.mulf %get3A_57, %convert_element_type3A_171 : vector<64x128xf32>
      %reduce_sum3A_173 = vector.shape_cast %mul3A_172 : vector<64x128xf32> to vector<1x64x128xf32>
      %reduce_sum3A_174 = arith.constant dense<0.000000e+00> : vector<1xf32>
      %reduce_sum3A_175 = vector.multi_reduction <add>, %reduce_sum3A_173, %reduce_sum3A_174 [1, 2] : vector<1x64x128xf32> to vector<1xf32>
      %reduce_sum3A_176 = vector.shape_cast %reduce_sum3A_175 : vector<1xf32> to vector<1x1x1xf32>
      %reduce_sum3A_177 = vector.extract %reduce_sum3A_176[0, 0, 0] : f32 from vector<1x1x1xf32>
      %sub3A_178 = arith.constant 1.000000e+01 : f32
      %sub3A_179 = arith.subf %sub3A_178, %reduce_sum3A_167 : f32
      %mul3A_180 = arith.mulf %sub3A_179, %convert_element_type3A_138 : f32
      %add3A_181 = arith.addf %reduce_sum3A_177, %mul3A_180 : f32
      %div3A_182 = arith.divf %add3A_181, %max3A : f32
      %reshape3A_183 = vector.broadcast %div3A_182 : f32 to vector<1x1xf32>
      %swap3A_184 = arith.constant 0 : index
      %swap3A_185 = arith.constant 0 : index
      %swap3A_186 = vector.load %arg9[%swap3A_184, %swap3A_185] : memref<1x1xf32, #tpu.memory_space<vmem>>, vector<1x1xf32>
      tpu.vector_store %arg9[%swap3A_184, %swap3A_185], %reshape3A_183 {strides = array<i32>} : memref<1x1xf32, #tpu.memory_space<vmem>>, vector<1x1xf32>,
    } else {
    }
    return
  }
  func.func @transform_0(%arg0: i32) -> (i32, i32) {
    %c0_i32 = arith.constant 0 : i32
    %c0_i32_0 = arith.constant 0 : i32
    return %arg0, %c0_i32 : i32, i32
  }
  func.func @transform_1(%arg0: i32) -> (i32, i32) {
    %c0_i32 = arith.constant 0 : i32
    %c0_i32_0 = arith.constant 0 : i32
    return %arg0, %c0_i32 : i32, i32
  }
  func.func @transform_2(%arg0: i32) -> (i32, i32) {
    %c0_i32 = arith.constant 0 : i32
    %c0_i32_0 = arith.constant 0 : i32
    return %arg0, %c0_i32 : i32, i32
  }
  func.func @transform_3(%arg0: i32) -> (i32, i32) {
    %c0_i32 = arith.constant 0 : i32
    %c0_i32_0 = arith.constant 0 : i32
    return %arg0, %c0_i32 : i32, i32
  }
  func.func @transform_4(%arg0: i32) -> (i32, i32) {
    %c0_i32 = arith.constant 0 : i32
    %c0_i32_0 = arith.constant 0 : i32
    %c0_i32_1 = arith.constant 0 : i32
    return %c0_i32, %c0_i32_0 : i32, i32
  }
  func.func @transform_5(%arg0: i32) -> (i32, i32) {
    %c0_i32 = arith.constant 0 : i32
    %c0_i32_0 = arith.constant 0 : i32
    %c0_i32_1 = arith.constant 0 : i32
    return %c0_i32, %c0_i32_0 : i32, i32
  }
  func.func @transform_6(%arg0: i32) -> (i32, i32) {
    %c0_i32 = arith.constant 0 : i32
    %c0_i32_0 = arith.constant 0 : i32
    %c0_i32_1 = arith.constant 0 : i32
    return %c0_i32, %c0_i32_0 : i32, i32
  }
  func.func @transform_7(%arg0: i32) -> (i32, i32) {
    %c0_i32 = arith.constant 0 : i32
    %c0_i32_0 = arith.constant 0 : i32
    %c0_i32_1 = arith.constant 0 : i32
    return %c0_i32, %c0_i32_0 : i32, i32
  }
  func.func @transform_8(%arg0: i32) -> (i32, i32) {
    %c0_i32 = arith.constant 0 : i32
    %c0_i32_0 = arith.constant 0 : i32
    %c0_i32_1 = arith.constant 0 : i32
    return %c0_i32, %c0_i32_0 : i32, i32
  }
  func.func @transform_9(%arg0: i32) -> (i32, i32) {
    %c0_i32 = arith.constant 0 : i32
    %c0_i32_0 = arith.constant 0 : i32
    %c0_i32_1 = arith.constant 0 : i32
    return %c0_i32, %c0_i32_0 : i32, i32
  }
  func.func @transform_10(%arg0: i32) -> (i32, i32) {
    %c0_i32 = arith.constant 0 : i32
    %c0_i32_0 = arith.constant 0 : i32
    %c0_i32_1 = arith.constant 0 : i32
    return %c0_i32, %c0_i32_0 : i32, i32
  }
  func.func @transform_11(%arg0: i32) -> (i32, i32) {
    %c0_i32 = arith.constant 0 : i32
    %c0_i32_0 = arith.constant 0 : i32
    %c0_i32_1 = arith.constant 0 : i32
    return %c0_i32, %c0_i32_0 : i32, i32
  }
}

</mosaic_0001>

<sc_bundles>
// kernel: kernel.4.cloned.1.call-start
scs
__scs_entry_jumppad:
0x0: {  	(pc) =	sbr.rel $0x88, $3  }
0x1: {  	(tag) =	ssettag $0x0;
	lr =	simm.s32 $0x1  }
0x2: {  	[smem:$0x3F9F] =	sst lr;
	_ =	strace $0xD0000000  }
0x3: {  	_ = 	snop  }
0x4: {  	_ = 	snop  }
0x5: {  	_ = 	snop  }
0x6: {  	_ = 	snop  }
0x7: {  	_ = 	snop  }
__scs_overlays_trampoline_lowered:
0x8: {  	[smem:$0x3FAE] =	sst s0  }
0x9: {  	[smem:$0x3FAF] =	sst s1  }
0xa: {  	[smem:$0x3FB0] =	sst s2  }
0xb: {  	[smem:$0x3FB1] =	sst s3  }
0xc: {  	[smem:$0x3FB2] =	sst s4  }
0xd: {  	[smem:$0x3FB3] =	sst s5  }
0xe: {  	[smem:$0x3FB4] =	sst s6  }
0xf: {  	[smem:$0x3FB5] =	sst s7  }
0x10: {  	[smem:$0x3FB6] =	sst s8  }
0x11: {  	[smem:$0x3FB7] =	sst s9;
	s0 =	simm.s32 @!p0 $0x0  }
0x12: {  	s1 =	sld [smem:$0x3F9D];
	s0 =	simm.s32 @p0 $0x1  }
0x13: {  	[smem:$0x3FB8] =	sst s0;
	s0 =	simm.s32 @!p1 $0x0  }
0x14: {  	s2 =	sld [smem:$0x3F9C];
	s0 =	simm.s32 @p1 $0x1  }
0x15: {  	[smem:$0x3FB9] =	sst s0;
	s0 =	simm.s32 @!p2 $0x0  }
0x16: {  	s3 =	sld [smem:$0x3FDB];
	s0 =	simm.s32 @p2 $0x1  }
0x17: {  	s4 =	simm.s32 $0x1BF5;
	[smem:$0x3FBB] =	sst s0  }
0x18: {  	s0 =	sld [smem:$0x3F9E];
	_ =	swait.ge [sflag:s4], $0x0  }
0x19: {  	s7 =	sld [smem:$0x3F9F]  }
0x1a: {  	s8 =	sadd.s32 $0xFFFFE003, lr  }
0x1b: {  	s9 =	sadd.s32 $0xFFFFFEF7, lr;
	s5 =	simm.s32 $0xFFFFFFFF;
	p2 =	slt.u32 s8, $0xFFFFF086  }
0x1c: {  	p1 =	slt.u32 s9, $0xF7A;
	s5 =	simm.s32 @!p2 $0x0  }
0x1d: {  	s5 =	simm.s32 @p1 $0x1;
	p0 =	seq.s32 s7, s2  }
0x1e: {  	s7 =	smul.u32 @!p0 $0xF7A, s2;
	p2 =	seq.s32 @!p0 s5, $0x0  }
0x1f: {  	s9 =	smul.u32 $0xF7A, s1;
	s8 =	simm.s32 @!p0 $0x1BF5;
	p2 =	por !p2, p0  }
0x20: {  	[sflag:s8] =	ssyncset.s32 @!p0 $0xFFFFF086;
	s6 =	sadd.s32 @!p0 s3, s7;
	s7 =	simm.s32 @!p0 $0x108  }
0x21: {  	s3 =	sadd.s32 s3, s9;
	s6 =	sadd.s32 @!p0 $0x88, s6;
	s7 =	simm.s32 @p2 $0x1082  }
0x22: {  	[simem:s7], [sflag:s8] =	dma.local @!p0 [hbm:s6], $0xF7A  }
0x23: {  	s9 =	sor.u32 $0xD0000000, s2;
	s6 =	simm.s32 $0x108;
	_ =	swait.ge @!p0 [sflag:s8], $0x0  }
0x24: {  	s3 =	sadd.s32 $0x88, s3;
	s6 =	simm.s32 @!p1 $0x1082;
	[sflag:s4] =	ssyncset.s32 $0xFFFFF086  }
0x25: {  	[simem:s6], [sflag:s4] =	dma.local [hbm:s3], $0xF7A  }
0x26: {  	[smem:$0x3F9F] =	sst s1;
	(tag) =	ssettag s2;
	_ =	strace s9  }
0x27: {  	s1 =	sld [smem:$0x3FAF]  }
0x28: {  	s2 =	sld [smem:$0x3FB0]  }
0x29: {  	s4 =	sld [smem:$0x3FB2]  }
0x2a: {  	p0 =	seq.s32 s5, $0x0;
	s5 =	sld [smem:$0x3FB3]  }
0x2b: {  	s6 =	sld [smem:$0x3FB4]  }
0x2c: {  	s7 =	sld [smem:$0x3FB5]  }
0x2d: {  	s3 =	simm.s32 $0x108;
	s8 =	sld [smem:$0x3FB6]  }
0x2e: {  	s3 =	simm.s32 @!p0 $0x1082;
	s9 =	sld [smem:$0x3FB7]  }
0x2f: {  	lr =	sadd.s32 s0, s3;
	s0 =	sld [smem:$0x3FAE]  }
0x30: {  	s3 =	sld [smem:$0x3FB1]  }
0x31: {  	[smem:$0x3FBA] =	sst s10  }
0x32: {  	s10 =	sld [smem:$0x3FB8];
	_ =	sdelay $0x3  }
0x33: {  	p0 =	seq.s32 s10, $0x1;
	s10 =	sld [smem:$0x3FBA];
	_ =	sdelay $0x3  }
0x34: {  	[smem:$0x3FBA] =	sst s10  }
0x35: {  	s10 =	sld [smem:$0x3FB9];
	_ =	sdelay $0x3  }
0x36: {  	p1 =	seq.s32 s10, $0x1;
	s10 =	sld [smem:$0x3FBA];
	_ =	sdelay $0x3  }
0x37: {  	[smem:$0x3FBA] =	sst s10  }
0x38: {  	s10 =	sld [smem:$0x3FBB]  }
0x39: {  	_ = 	snop;
	(pc) =	sbr.ind lr, $3  }
0x3a: {  	_ = 	snop  }
0x3b: {  	_ = 	snop  }
0x3c: {  	p2 =	seq.s32 s10, $0x1;
	s10 =	sld [smem:$0x3FBA]  }
0x3d: {  	_ =	shalt  }
0x3e: {  	_ =	shalt  }
0x3f: {  	_ =	shalt  }
0x40: {  	_ =	shalt  }
0x41: {  	_ =	shalt  }
0x42: {  	_ =	shalt  }
0x43: {  	_ =	shalt  }
0x44: {  	_ =	shalt  }
0x45: {  	_ =	shalt  }
0x46: {  	_ =	shalt  }
0x47: {  	_ =	shalt  }
0x48: {  	_ =	shalt  }
0x49: {  	_ =	shalt  }
0x4a: {  	_ =	shalt  }
0x4b: {  	_ =	shalt  }
0x4c: {  	_ =	shalt  }
0x4d: {  	_ =	shalt  }
0x4e: {  	_ =	shalt  }
0x4f: {  	_ =	shalt  }
0x50: {  	_ =	shalt  }
0x51: {  	_ =	shalt  }
0x52: {  	_ =	shalt  }
0x53: {  	_ =	shalt  }
0x54: {  	_ =	shalt  }
0x55: {  	_ =	shalt  }
0x56: {  	_ =	shalt  }
0x57: {  	_ =	shalt  }
0x58: {  	_ =	shalt  }
0x59: {  	_ =	shalt  }
0x5a: {  	_ =	shalt  }
0x5b: {  	_ =	shalt  }
0x5c: {  	_ =	shalt  }
0x5d: {  	_ =	shalt  }
0x5e: {  	_ =	shalt  }
0x5f: {  	_ =	shalt  }
0x60: {  	_ =	shalt  }
0x61: {  	_ =	shalt  }
0x62: {  	_ =	shalt  }
0x63: {  	_ =	shalt  }
0x64: {  	_ =	shalt  }
0x65: {  	_ =	shalt  }
0x66: {  	_ =	shalt  }
0x67: {  	_ =	shalt  }
0x68: {  	_ =	shalt  }
0x69: {  	_ =	shalt  }
0x6a: {  	_ =	shalt  }
0x6b: {  	_ =	shalt  }
0x6c: {  	_ =	shalt  }
0x6d: {  	_ =	shalt  }
0x6e: {  	_ =	shalt  }
0x6f: {  	_ =	shalt  }
0x70: {  	_ =	shalt  }
0x71: {  	_ =	shalt  }
0x72: {  	_ =	shalt  }
0x73: {  	_ =	shalt  }
0x74: {  	_ =	shalt  }
0x75: {  	_ =	shalt  }
0x76: {  	_ =	shalt  }
0x77: {  	_ =	shalt  }
0x78: {  	_ =	shalt  }
0x79: {  	_ =	shalt  }
0x7a: {  	_ =	shalt  }
0x7b: {  	_ =	shalt  }
0x7c: {  	_ =	shalt  }
0x7d: {  	_ =	shalt  }
0x7e: {  	_ =	shalt  }
0x7f: {  	_ =	shalt  }
0x80: {  	_ =	shalt  }
0x81: {  	_ =	shalt  }
0x82: {  	_ =	shalt  }
0x83: {  	_ =	shalt  }
0x84: {  	_ =	shalt  }
0x85: {  	_ =	shalt  }
0x86: {  	_ =	shalt  }
0x87: {  	_ =	shalt  }
.Lfunc_end0:
.L_simem_size_0:
called_computation_lowered:
.L_overlay_start_0:
0x88: {  	s2 =	sld [smem:$0x3FD9]  }
0x89: {  	s3 =	sld [smem:$0x3FFE];
	_ =	sdelay $0x1  }
0x8a: {  	s1 =	srdreg.scid  }
0x8b: {  	s0 =	sand.u32 $0x1, s1  }
0x8c: {  	s14 =	sshll.u32 s0, $0xA;
	s2 =	sadd.s32 s3, s2  }
0x8d: {  	s2 =	sadd.s32 s2, s14  }
0x8e: {  	[smem:$0x3FC6] =	sst s2  }
0x8f: {  	_ = 	snop  }
0x90: {  	s2 =	sld [smem:$0x3FD0];
	_ =	sdelay $0x2  }
0x91: {  	s15 =	simm.s32 $0xA;
	s4 =	simm.s32 $0x10  }
0x92: {  	[smem:s4], [sflag:s15] =	dma.local [hbm:s2], $0x1  }
0x93: {  	_ =	swait.eq [sflag:s15], $0x1  }
0x94: {  	[sflag:s15] =	ssyncset.done $0x0  }
0x95: {  	[sflag:s15] =	ssyncadd.s32 $0xFFFFFFFF  }
0x96: {  	s16 =	sld [smem:$0x10];
	(tm) =	ssettm $0x1  }
0x97: {  	s17 =	sld [smem:$0x3FFB];
	_ =	sdelay $0x3  }
0x98: {  	_ =	strace s17  }
0x99: {  	s3 =	sld [smem:$0x3FFC];
	_ =	sdelay $0x3  }
0x9a: {  	_ =	strace s3  }
0x9b: {  	s3 =	sld [smem:$0x3FFD];
	_ =	sdelay $0x3  }
0x9c: {  	_ =	strace s3  }
0x9d: {  	_ =	strace $0x8FFFFFFF  }
0x9e: {  	s18 =	sld [smem:$0x3FDB];
	_ =	sdelay $0x1  }
0x9f: {  	s19 =	simm.s32 $_scs_section_size  }
0xa0: {  	s5 =	simm.s32 $_size__tile_overlayer_lowered;
	s6 =	simm.s32 $_tile_overlayer_lowered  }
0xa1: {  	s22 =	simm.s32 $0x1BFF;
	s21 =	sshll.u32 s6, $0x1;
	s3 =	sadd.s32 s19, s18  }
0xa2: {  	s7 =	simm.s32 $0x0;
	s20 =	sshll.u32 s5, $0x1;
	s5 =	sadd.s32 s21, s3  }
0xa3: {  	[timem:s7], [sflag:s22] =	dma.local [hbm:s5], s20  }
0xa4: {  	_ =	swait.ge [sflag:s22], s20  }
0xa5: {  	s4 =	ssub.s32 $0x0, s20;
	[sflag:s22] =	ssyncset.done $0x0  }
0xa6: {  	[sflag:s22] =	ssyncadd.s32 s4;
	_ =	sdelay $0x1  }
0xa7: {  	s23 =	simm.s32 $0x1B8B  }
0xa8: {  	_ =	swait.ge [sflag:s23], $0x1  }
0xa9: {  	[sflag:s23] =	ssyncset.done $0x0  }
0xaa: {  	s25 =	simm.s32 $0x1B8E;
	s24 =	sld [smem:$0x3FFE];
	[sflag:s23] =	ssyncadd.s32 $0xFFFFFFFF  }
0xab: {  	s26 =	simm.s32 $execute0_lowered;
	[smem:$0x3FD2] =	sst s25  }
0xac: {  	s5 =	sshll.u32 s26, $0x1;
	_ =	strace $0x80000046;
	[dreg:$0x1] =	wrdreg $0xFFFFFFFF  }
0xad: {  	s28 =	simm.s32 $_size_execute0_lowered;
	s3 =	sadd.s32 s3, s5;
	[dreg:$0x0] =	wrdreg $0x0  }
0xae: {  	s5 =	sshll.u32 s28, $0x1;
	[dreg:$0x2] =	wrdreg s3  }
0xaf: {  	[dreg:$0x3] =	wrdreg s5  }
0xb0: {  	[dreg:$0x4] =	wrdreg $0xC0  }
0xb1: {  	_ =	task [dreg:s7], $0x5FFFF  }
0xb2: {  	[dreg:$0x1] =	wrdreg $0xFFFFFFFF  }
0xb3: {  	[dreg:$0x0] =	wrdreg $0x60  }
0xb4: {  	[dreg:$0x2] =	wrdreg s24  }
0xb5: {  	[dreg:$0x3] =	wrdreg s16  }
0xb6: {  	[dreg:$0x4] =	wrdreg $0x9  }
0xb7: {  	_ =	task.clear_ibuf [dreg:s7], $0x5FFFF;
	_ =	strace $0x90000046  }
0xb8: {  	s29 =	simm.s32 $0x9;
	_ =	strace $0x80000048  }
0xb9: {  	_ =	swait.ge [sflag:s29], $0x1  }
0xba: {  	[sflag:s29] =	ssyncadd.s32 $0xFFFFFFFF  }
0xbb: {  	_ =	strace $0x90000048  }
0xbc: {  	_ =	sfence  }
0xbd: {  	s30 =	sld [smem:$0x0];
	_ =	sdelay $0x2  }
0xbe: {  	s31 =	sshll.u32 s1, $0xD;
	s1 =	sshrl.u32 s1, $0x2  }
0xbf: {  	s3 =	sand.u32 $0x4000, s31;
	s1 =	sadd.s32 s1, s30  }
0xc0: {  	s0 =	sor.u32 s3, s0;
	s1 =	sshll.u32 s1, $0x11  }
0xc1: {  	s0 =	sor.u32 s1, s0  }
0xc2: {  	s0 =	sadd.s32 $0x8F2B, s0  }
0xc3: {  	[sflag:s0] =	ssyncadd.remote.s32 $0x1  }
0xc4: {  	_ =	sfence.sel $0xFFFF  }
0xc5: {  	[dreg:$0x0] =	wrdreg $0xFFFFFFFF;
	(pc) =	sbr.abs _section_cstart, $3  }
0xc6: {  	[dreg:$0x1] =	wrdreg $0xFFFFFFFF  }
0xc7: {  	_ =	task.clear_ibuf [dreg:s7], $0x2FFFF;
	_ =	strace $0x9FFFFFFF  }
0xc8: {  	(tm) =	ssettm $0x7FFFFFFF  }
0xc9: {  	_ =	shalt  }
tec
execute0_lowered:
.L_overlay_start_1:
0x0: {  	(tag) =	ssettag $0x1  }
0x1: {  	s1 =	srdreg.scid;
	s2 =	rddreg [dreg:$0x0]  }
0x2: {  	s0 =	stileid.u32;
	s4 =	rddreg [dreg:$0x1];
	s6 =	sand.u32 $0x1, s1  }
0x3: {  	s3 =	simm.s32 $0x0;
	s5 =	sshll.u32 s0, $0x9;
	s7 =	sshll.u32 s6, $0x8  }
0x4: {  	[smem:$0x7FF] =	sst s3;
	s8 =	sor.u32 s7, s5  }
0x5: {  	s1 =	rddreg [dreg:$0x2];
	_ =	strace $0x80000047;
	s5 =	sshrl.u32 s8, $0x3  }
0x6: {  	s9 =	ssub.s32 $0x2, s6;
	s5 =	sadd.s32 s4, s5;
	s4 =	simm.s32 $0x2  }
0x7: {  	[tilespmem:s3], [sflag:$0x2] =	stream.linear.gather [hbm4b:s5+s3], $0x100, $0x38;
	[tilespmem:$0x8100] =	vst v63  }
0x8: {  	s10 =	sshrl.u32 s9, $0x1;
	_ =	swait.ge [sflag:s4], $0x100  }
0x9: {  	s6 =	simm.s32 $0x100;
	s9 =	ssub.s32 s9, s10;
	[sflag:s4] =	ssyncset.done $0x0  }
0xa: {  	s7 =	simm.s32 $0x1;
	s9 =	smax.u32 s9, $0x1;
	[sflag:s4] =	ssyncadd.s32 $0xFFFFFF00  }
0xb: {  	[tilespmem:s6], [sflag:$0x1] =	stream.indirect.gather [hbm4b:s2+s6], $0x80, s3, s6, $0xb8;
	[tilespmem:$0x8100] =	vst v63  }
0xc: {  	s8 =	sshll.u32 s8, $0x4;
	p0 =	sne.s32 s9, $0x1;
	_ =	swait.ge [sflag:s7], $0x8000  }
.Ltmp0:
0xd: {  	s8 =	sadd.s32 s8, s2;
	[sflag:s7] =	ssyncset.done $0x0;
	(pc) =	sbr.rel @!p0 .LBB2_2-.Ltmp0, $4  }
0xe: {  	s8 =	sadd.s32 $0x20000, s8;
	[sflag:s7] =	ssyncadd.s32 $0xFFFF8000  }
0xf: {  	[hbm4b:s8+s3] =	stream.linear.scatter [tilespmem:s6], [sflag:$0x2], $0x8000, $0x38;
	[tilespmem:$0x8100] =	vst v63  }
0x10: {  	_ =	swait.ge [sflag:s4], $0x8000  }
0x11: {  	s9 =	sadd.s32 $0xFFFFFFFF, s9;
	[sflag:s4] =	ssyncset.done $0x0  }
.LBB2_1:
0x12: {  	p0 =	sne.s32 s9, $0x1;
	s9 =	sadd.s32 $0xFFFFFFFF, s9;
	[sflag:s4] =	ssyncadd.s32 $0xFFFF8000  }
0x13: {  	[tilespmem:s3], [sflag:$0x2] =	stream.linear.gather [hbm4b:s5+s3], $0x100, $0x38;
	[tilespmem:$0x8100] =	vst v63  }
0x14: {  	_ =	swait.ge [sflag:s4], $0x100  }
0x15: {  	[sflag:s4] =	ssyncset.done $0x0  }
0x16: {  	[sflag:s4] =	ssyncadd.s32 $0xFFFFFF00  }
0x17: {  	[tilespmem:s6], [sflag:$0x1] =	stream.indirect.gather [hbm4b:s2+s6], $0x80, s3, s6, $0xb8;
	[tilespmem:$0x8100] =	vst v63  }
0x18: {  	_ =	swait.ge [sflag:s7], $0x8000  }
.Ltmp1:
0x19: {  	[sflag:s7] =	ssyncset.done $0x0;
	(pc) =	sbr.rel @p0 .LBB2_1-.Ltmp1, $4  }
0x1a: {  	[sflag:s7] =	ssyncadd.s32 $0xFFFF8000  }
0x1b: {  	[hbm4b:s8+s3] =	stream.linear.scatter [tilespmem:s6], [sflag:$0x2], $0x8000, $0x38;
	[tilespmem:$0x8100] =	vst v63  }
0x1c: {  	_ =	swait.ge [sflag:s4], $0x8000  }
0x1d: {  	[sflag:s4] =	ssyncset.done $0x0  }
.LBB2_2:
0x1e: {  	[sflag:s4] =	ssyncadd.s32 $0xFFFF8000  }
0x1f: {  	_ =	sfence.sel $0x180000  }
0x20: {  	[bflag:$0x0] =	sbarrier.arrive $0xFFFF  }
0x21: {  	p0 =	sne.s32 s0, $0x0;
	_ =	strace $0x90000047  }
0x22: {  	s0 =	sadd.s32 @!p0 $0x100000, s1;
	[bflag:$0x2] =	sbarrier.arrive $0xFFFF  }
0x23: {  	[sflag:s0] =	ssyncadd.tile.s32 @!p0 $0x1;
	_ =	shalt  }
.Lfunc_end2:
_tile_overlayer_lowered:
.L_overlay_start_2:
0x24: {  	(tag) =	ssettag $0x2  }
0x25: {  	s0 =	rddreg [dreg:$0x0];
	s2 =	stileid.u32  }
0x26: {  	s1 =	rddreg [dreg:$0x1];
	p0 =	sne.s32 s2, $0x0  }
0x27: {  	s3 =	rddreg [dreg:$0x2];
	[bflag:$0x3] =	sbarrier.arrive $0xFFFF;
	s2 =	simm.s32 @!p0 $0x1C02  }
0x28: {  	[timem:s3], [sflag:s2] =	dma.local @!p0 [hbm:s0], s1  }
0x29: {  	s0 =	simm.s32 @!p0 $0x2  }
0x2a: {  	_ =	swait.ge @!p0 [sflag:s0], s1  }
0x2b: {  	s1 =	ssub.s32 @!p0 $0x0, s1;
	[sflag:s0] =	ssyncset.done @!p0 $0x0  }
0x2c: {  	[sflag:s0] =	ssyncadd.s32 @!p0 s1  }
0x2d: {  	[bflag:$0x3] =	sbarrier.arrive $0xFFFF  }
0x2e: {  	_ =	shalt  }

</sc_bundles>
